<compile_context>
chip_gen: v7x
topology: tpu7x:2x2x1
jax: 0.10.2.dev20260603
libtpu: 0.0.44.dev20260713+nightly
codegen_flags: <defaults>
</compile_context>

<pallas_src>
import functools

import jax
import jax.numpy as jnp
from jax import lax
from jax.experimental import pallas as pl
from jax.experimental.pallas import tpu as pltpu
from jax.experimental.pallas import tpu_sc as plsc

B = 16384
F = 26
V = 100000
D = 32
C = 16

NCHUNK = 7
NWORK = 32
PER_WORKER = B * F // NWORK
WLOOK = 512
NWIN = PER_WORKER // WLOOK
NG = WLOOK // 16
NSTREAM = WLOOK // 128

MLP_BLOCK = 1024


def _sc_gather(t2, cat2):
    mesh = plsc.VectorSubcoreMesh(core_axis_name="c", subcore_axis_name="s")
    cp = pltpu.CompilerParams(needs_layout_passes=False,
                              use_tc_tiling_on_sc=False)

    @functools.partial(
        pl.kernel,
        mesh=mesh,
        compiler_params=cp,
        out_type=jax.ShapeDtypeStruct((NCHUNK * B, 128), jnp.float32),
        scratch_types=[
            pltpu.VMEM((WLOOK, F), jnp.int32),
            pltpu.VMEM((WLOOK,), jnp.int32),
            pltpu.VMEM((WLOOK, D), jnp.float32),
            pltpu.SemaphoreType.DMA,
        ],
    )
    def gather_kernel(t2_hbm, cat_hbm, out_hbm, catblk_v, tidx_v, rows_v,
                      sem):
        wid = lax.axis_index("c") * 16 + lax.axis_index("s")
        b0 = wid * WLOOK
        pltpu.sync_copy(cat_hbm.at[pl.ds(b0, WLOOK)], catblk_v)

        @pl.loop(0, F)
        def _field(f):
            off = f * V
            f16 = jnp.full((16,), 0, jnp.int32) + f

            @pl.loop(0, NG)
            def _idx(g):
                row16 = lax.iota(jnp.int32, 16) + g * 16
                tidx_v[pl.ds(g * 16, 16)] = (
                    plsc.load_gather(catblk_v, [row16, f16]) + off)

            copies = [
                pltpu.async_copy(
                    t2_hbm.at[tidx_v.at[pl.ds(k * 128, 128)]],
                    rows_v.at[pl.ds(k * 128, 128)], sem)
                for k in range(NSTREAM)
            ]
            for c in copies:
                c.wait()

            j = lax.shift_right_logical(f, 2)
            l = lax.bitwise_and(f, 3) * D
            pltpu.sync_copy(
                rows_v,
                out_hbm.at[pl.ds(j * B + b0, WLOOK), pl.ds(l, D)])

            @pl.when(f >= F - 2)
            def _dup():
                pltpu.sync_copy(
                    rows_v,
                    out_hbm.at[pl.ds(j * B + b0, WLOOK), pl.ds(l + 64, D)])

    return gather_kernel(t2, cat2)


def _mlp_kernel(emb_ref, cont_ref, w0p_ref, w0c_ref, b0_ref, w1_ref, b1_ref,
                w2_ref, b2_ref, out_ref):
    x = jnp.dot(cont_ref[...], w0c_ref[...], preferred_element_type=jnp.float32)
    for j in range(NCHUNK):
        x = x + jnp.dot(emb_ref[j], w0p_ref[j],
                        preferred_element_type=jnp.float32)
    x = jnp.maximum(x + b0_ref[...], 0.0)
    x = jnp.maximum(jnp.dot(x, w1_ref[...], preferred_element_type=jnp.float32)
                    + b1_ref[...], 0.0)
    x = jnp.maximum(jnp.dot(x, w2_ref[...], preferred_element_type=jnp.float32)
                    + b2_ref[...], 0.0)
    out_ref[...] = x


def _mlp(emb3, cont, W0p, W0c, b0, W1, b1, W2, b2):
    grid = (B // MLP_BLOCK,)
    full = lambda shape: pl.BlockSpec(shape, lambda i: tuple(0 for _ in shape))
    return pl.pallas_call(
        _mlp_kernel,
        grid=grid,
        in_specs=[
            pl.BlockSpec((NCHUNK, MLP_BLOCK, 128), lambda i: (0, i, 0)),
            pl.BlockSpec((MLP_BLOCK, C), lambda i: (i, 0)),
            full(W0p.shape), full(W0c.shape), full(b0.shape),
            full(W1.shape), full(b1.shape), full(W2.shape), full(b2.shape),
        ],
        out_specs=pl.BlockSpec((MLP_BLOCK, W2.shape[1]), lambda i: (i, 0)),
        out_shape=jax.ShapeDtypeStruct((B, W2.shape[1]), jnp.float32),
    )(emb3, cont, W0p, W0c, b0, W1, b1, W2, b2)


def kernel(continuous, categorical_indices, tables, W0, b0, W1, b1, W2, b2):
    emb3 = _sc_gather(tables, categorical_indices).reshape(NCHUNK, B, 128)
    W0e = W0[: F * D]
    W0c = W0[F * D:]
    W0p = jnp.concatenate(
        [W0e, jnp.zeros((NCHUNK * 128 - F * D, W0.shape[1]), W0.dtype)]
    ).reshape(NCHUNK, 128, W0.shape[1])
    return _mlp(emb3, continuous, W0p, W0c, b0[None, :], W1, b1[None, :],
                W2, b2[None, :])

# --- scband reference (transcript-rebuilt; emitter-appended) ---
"""Pipeline reference for scband-you-tube-dnn-16338055594552 (READ-ONLY COPY).

The authoritative reference and input builder live on the scoring server;
editing this copy changes nothing except your own understanding.
"""

import jax, jax.numpy as jnp
import numpy as np

B = 16384      # batch
F = 26         # number of categorical (sparse) fields
V = 100000     # vocab per field
D = 32         # embedding_dim
C = 16         # number of continuous features
HIDDEN = [512, 256, 128]


def setup_inputs(seed: int = 0) -> dict:
    key = jax.random.key(seed)
    ks = jax.random.split(key, 12)
    continuous = jax.random.normal(ks[0], (B, C), dtype=jnp.float32)
    categorical_indices = jax.random.randint(ks[1], (B, F), 0, V, dtype=jnp.int32)
    # One embedding table per categorical field, stored flattened: [F*V, D]
    tables = jax.random.normal(ks[2], (F * V, D), dtype=jnp.float32) * 0.01
    d_in = F * D + C
    dims = [d_in] + HIDDEN
    params = {}
    for i in range(len(HIDDEN)):
        params[f"W{i}"] = jax.random.normal(ks[3 + i], (dims[i], dims[i + 1]), dtype=jnp.float32) * (1.0 / np.sqrt(dims[i]))
        params[f"b{i}"] = jnp.zeros((dims[i + 1],), dtype=jnp.float32)
    return {
        "continuous": continuous,
        "categorical_indices": categorical_indices,
        "tables": tables,
        **params,
    }


def reference(continuous, categorical_indices, tables, W0, b0, W1, b1, W2, b2):
    # DenseFeatures: per-field embedding lookup, concat embeddings + continuous
    offsets = (jnp.arange(F, dtype=categorical_indices.dtype) * V)[None, :]
    flat_idx = (categorical_indices + offsets).reshape(-1)
    emb = jnp.take(tables, flat_idx, axis=0).reshape(B, F * D)
    x = jnp.concatenate([emb, continuous.astype(jnp.float32)], axis=-1)
    # Hidden tower: Dense + relu (activity_regularizer does not alter forward output)
    x = jax.nn.relu(x @ W0 + b0)
    x = jax.nn.relu(x @ W1 + b1)
    x = jax.nn.relu(x @ W2 + b2)
    return x

if __name__ == "__main__":
    import jax
    _d = setup_inputs()
    print(jax.jit(kernel)(*tuple(_d.values())))

</pallas_src>

<mosaic_0001>
#map = affine_map<(d0, d1) -> (0, 0)>
module attributes {stable_mosaic.version = 14 : i64} {
  func.func @gather_kernel(%arg0: i32, %arg1: i32, %arg2: memref<2600000x32xf32, #tpu.memory_space<hbm>>, %arg3: memref<16384x26xi32, #tpu.memory_space<hbm>>, %arg4: memref<114688x128xf32, #tpu.memory_space<hbm>>, %arg5: memref<512x26xi32, #tpu.memory_space<vmem>>, %arg6: memref<512xi32, #tpu.memory_space<vmem>>, %arg7: memref<512x32xf32, #tpu.memory_space<vmem>>, %arg8: memref<!tpu.dma_semaphore, #tpu.memory_space<semaphore_mem>>) attributes {dimension_semantics = [#tpu.dimension_semantics<core_parallel>, #tpu.dimension_semantics<subcore_parallel>], iteration_bounds = array<i64: 2, 16>, scalar_prefetch = 0 : i64, scratch_operands = 4 : i64, tpu.core_type = #tpu.core_type<sc_vector_subcore>, window_params = [{transform_indices = #map}, {transform_indices = #map}, {transform_indices = #map}]} {
    %mul3A = arith.constant 16 : i32
    %mul3A_0 = arith.muli %arg0, %mul3A : i32
    %add3A = arith.addi %mul3A_0, %arg1 : i32
    %mul3A_1 = arith.constant 512 : i32
    %mul3A_2 = arith.muli %add3A, %mul3A_1 : i32
    "tpu.region"() ({
      %run_scoped3A = tpu.sem_alloc : memref<!tpu.dma_semaphore, #tpu.memory_space<semaphore_mem>>
      %dma_start3A = arith.constant 0 : i32
      %dma_start3A_7 = tpu.memref_slice %arg3[%mul3A_2, %dma_start3A] : memref<16384x26xi32, #tpu.memory_space<hbm>> -> memref<512x26xi32, #tpu.memory_space<hbm>>
      %dma_start3A_8 = arith.constant 0 : i32
      %dma_start3A_9 = tpu.memref_slice %arg3[%mul3A_2, %dma_start3A_8] : memref<16384x26xi32, #tpu.memory_space<hbm>> -> memref<512x26xi32, #tpu.memory_space<hbm>>
      tpu.enqueue_dma source(%dma_start3A_9 : memref<512x26xi32, #tpu.memory_space<hbm>>) target(%arg5 : memref<512x26xi32, #tpu.memory_space<vmem>>) target_semaphore(%run_scoped3A : memref<!tpu.dma_semaphore, #tpu.memory_space<semaphore_mem>>)
      %dma_wait3A = arith.constant 0 : i32
      %dma_wait3A_10 = tpu.memref_slice %arg3[%mul3A_2, %dma_wait3A] : memref<16384x26xi32, #tpu.memory_space<hbm>> -> memref<512x26xi32, #tpu.memory_space<hbm>>
      %dma_wait3A_11 = arith.constant 0 : i32
      %dma_wait3A_12 = tpu.memref_slice %arg3[%mul3A_2, %dma_wait3A_11] : memref<16384x26xi32, #tpu.memory_space<hbm>> -> memref<512x26xi32, #tpu.memory_space<hbm>>
      tpu.wait_dma2 semaphore(%run_scoped3A : memref<!tpu.dma_semaphore, #tpu.memory_space<semaphore_mem>>) src(%dma_wait3A_12 : memref<512x26xi32, #tpu.memory_space<hbm>>) dst(%arg5 : memref<512x26xi32, #tpu.memory_space<vmem>>)
      tpu.yield
    }) : () -> ()
    %scan3A = arith.constant 0 : i32
    %scan3A_3 = arith.constant 26 : i32
    %scan3A_4 = arith.addi %scan3A, %scan3A_3 : i32
    %scan3A_5 = arith.constant 1 : i32
    scf.for %scan3A_7 = %scan3A to %scan3A_4 step %scan3A_5  : i32 {
      %mul3A_8 = arith.constant 1 : i32
      %mul3A_9 = arith.muli %scan3A_7, %mul3A_8 : i32
      %add3A_10 = arith.constant 0 : i32
      %add3A_11 = arith.addi %add3A_10, %mul3A_9 : i32
      %mul3A_12 = arith.constant 100000 : i32
      %mul3A_13 = arith.muli %add3A_11, %mul3A_12 : i32
      %broadcast_in_dim3A = arith.constant 0 : i32
      %broadcast_in_dim3A_14 = vector.broadcast %broadcast_in_dim3A : i32 to vector<16xi32>
      %add3A_15 = vector.broadcast %add3A_11 : i32 to vector<16xi32>
      %add3A_16 = arith.addi %broadcast_in_dim3A_14, %add3A_15 : vector<16xi32>
      %scan3A_17 = arith.constant 0 : i32
      %scan3A_18 = arith.constant 32 : i32
      %scan3A_19 = arith.addi %scan3A_17, %scan3A_18 : i32
      %scan3A_20 = arith.constant 1 : i32
      scf.for %scan3A_93 = %scan3A_17 to %scan3A_19 step %scan3A_20  : i32 {
        %mul3A_94 = arith.constant 1 : i32
        %mul3A_95 = arith.muli %scan3A_93, %mul3A_94 : i32
        %add3A_96 = arith.constant 0 : i32
        %add3A_97 = arith.addi %add3A_96, %mul3A_95 : i32
        %iota3A = tpu.iota {dimensions = array<i32: 0>} : vector<16xi32>
        %mul3A_98 = arith.constant 16 : i32
        %mul3A_99 = arith.muli %add3A_97, %mul3A_98 : i32
        %add3A_100 = vector.broadcast %mul3A_99 : i32 to vector<16xi32>
        %add3A_101 = arith.addi %iota3A, %add3A_100 : vector<16xi32>
        %gather3A = tpu.vector_load_idx %arg5[%add3A_101, %add3A_16] : memref<512x26xi32, #tpu.memory_space<vmem>>[vector<16xi32>, vector<16xi32>], vector<16xi32>,
        %add3A_102 = vector.broadcast %mul3A_13 : i32 to vector<16xi32>
        %add3A_103 = arith.addi %gather3A, %add3A_102 : vector<16xi32>
        %mul3A_104 = arith.constant 16 : i32
        %mul3A_105 = arith.muli %add3A_97, %mul3A_104 : i32
        %swap3A = arith.index_cast %mul3A_105 : i32 to index
        %swap3A_106 = tpu.vector_load %arg6[%swap3A] {strides = array<i32>} : memref<512xi32, #tpu.memory_space<vmem>>, vector<16xi32>,
        tpu.vector_store %arg6[%swap3A], %add3A_103 {strides = array<i32>} : memref<512xi32, #tpu.memory_space<vmem>>, vector<16xi32>,
      }
      %scan3A_21 = arith.constant 32 : i32
      %dma_start3A = arith.constant 0 : i32
      %dma_start3A_22 = arith.constant 0 : i32
      %dma_start3A_23 = tpu.memref_slice %arg7[%dma_start3A, %dma_start3A_22] : memref<512x32xf32, #tpu.memory_space<vmem>> -> memref<128x32xf32, #tpu.memory_space<vmem>>
      %dma_start3A_24 = arith.constant 0 : i32
      %dma_start3A_25 = tpu.memref_slice %arg6[%dma_start3A_24] : memref<512xi32, #tpu.memory_space<vmem>> -> memref<128xi32, #tpu.memory_space<vmem>>
      %dma_start3A_26 = arith.constant 0 : i32
      %dma_start3A_27 = arith.constant 0 : i32
      %dma_start3A_28 = tpu.memref_slice %arg2[%dma_start3A_26, %dma_start3A_27] : memref<2600000x32xf32, #tpu.memory_space<hbm>> -> memref<2600000x32xf32, #tpu.memory_space<hbm>>
      tpu.enqueue_indirect_dma source(%dma_start3A_28 : memref<2600000x32xf32, #tpu.memory_space<hbm>>) target(%dma_start3A_23 : memref<128x32xf32, #tpu.memory_space<vmem>>) offsets(%dma_start3A_25 : memref<128xi32, #tpu.memory_space<vmem>>) semaphore(%arg8 : memref<!tpu.dma_semaphore, #tpu.memory_space<semaphore_mem>>)
      %dma_start3A_29 = arith.constant 128 : i32
      %dma_start3A_30 = arith.constant 0 : i32
      %dma_start3A_31 = tpu.memref_slice %arg7[%dma_start3A_29, %dma_start3A_30] : memref<512x32xf32, #tpu.memory_space<vmem>> -> memref<128x32xf32, #tpu.memory_space<vmem>>
      %dma_start3A_32 = arith.constant 128 : i32
      %dma_start3A_33 = tpu.memref_slice %arg6[%dma_start3A_32] : memref<512xi32, #tpu.memory_space<vmem>> -> memref<128xi32, #tpu.memory_space<vmem>>
      %dma_start3A_34 = arith.constant 0 : i32
      %dma_start3A_35 = arith.constant 0 : i32
      %dma_start3A_36 = tpu.memref_slice %arg2[%dma_start3A_34, %dma_start3A_35] : memref<2600000x32xf32, #tpu.memory_space<hbm>> -> memref<2600000x32xf32, #tpu.memory_space<hbm>>
      tpu.enqueue_indirect_dma source(%dma_start3A_36 : memref<2600000x32xf32, #tpu.memory_space<hbm>>) target(%dma_start3A_31 : memref<128x32xf32, #tpu.memory_space<vmem>>) offsets(%dma_start3A_33 : memref<128xi32, #tpu.memory_space<vmem>>) semaphore(%arg8 : memref<!tpu.dma_semaphore, #tpu.memory_space<semaphore_mem>>)
      %dma_start3A_37 = arith.constant 256 : i32
      %dma_start3A_38 = arith.constant 0 : i32
      %dma_start3A_39 = tpu.memref_slice %arg7[%dma_start3A_37, %dma_start3A_38] : memref<512x32xf32, #tpu.memory_space<vmem>> -> memref<128x32xf32, #tpu.memory_space<vmem>>
      %dma_start3A_40 = arith.constant 256 : i32
      %dma_start3A_41 = tpu.memref_slice %arg6[%dma_start3A_40] : memref<512xi32, #tpu.memory_space<vmem>> -> memref<128xi32, #tpu.memory_space<vmem>>
      %dma_start3A_42 = arith.constant 0 : i32
      %dma_start3A_43 = arith.constant 0 : i32
      %dma_start3A_44 = tpu.memref_slice %arg2[%dma_start3A_42, %dma_start3A_43] : memref<2600000x32xf32, #tpu.memory_space<hbm>> -> memref<2600000x32xf32, #tpu.memory_space<hbm>>
      tpu.enqueue_indirect_dma source(%dma_start3A_44 : memref<2600000x32xf32, #tpu.memory_space<hbm>>) target(%dma_start3A_39 : memref<128x32xf32, #tpu.memory_space<vmem>>) offsets(%dma_start3A_41 : memref<128xi32, #tpu.memory_space<vmem>>) semaphore(%arg8 : memref<!tpu.dma_semaphore, #tpu.memory_space<semaphore_mem>>)
      %dma_start3A_45 = arith.constant 384 : i32
      %dma_start3A_46 = arith.constant 0 : i32
      %dma_start3A_47 = tpu.memref_slice %arg7[%dma_start3A_45, %dma_start3A_46] : memref<512x32xf32, #tpu.memory_space<vmem>> -> memref<128x32xf32, #tpu.memory_space<vmem>>
      %dma_start3A_48 = arith.constant 384 : i32
      %dma_start3A_49 = tpu.memref_slice %arg6[%dma_start3A_48] : memref<512xi32, #tpu.memory_space<vmem>> -> memref<128xi32, #tpu.memory_space<vmem>>
      %dma_start3A_50 = arith.constant 0 : i32
      %dma_start3A_51 = arith.constant 0 : i32
      %dma_start3A_52 = tpu.memref_slice %arg2[%dma_start3A_50, %dma_start3A_51] : memref<2600000x32xf32, #tpu.memory_space<hbm>> -> memref<2600000x32xf32, #tpu.memory_space<hbm>>
      tpu.enqueue_indirect_dma source(%dma_start3A_52 : memref<2600000x32xf32, #tpu.memory_space<hbm>>) target(%dma_start3A_47 : memref<128x32xf32, #tpu.memory_space<vmem>>) offsets(%dma_start3A_49 : memref<128xi32, #tpu.memory_space<vmem>>) semaphore(%arg8 : memref<!tpu.dma_semaphore, #tpu.memory_space<semaphore_mem>>)
      %dma_wait3A = arith.constant 0 : i32
      %dma_wait3A_53 = arith.constant 0 : i32
      %dma_wait3A_54 = tpu.memref_slice %arg7[%dma_wait3A, %dma_wait3A_53] : memref<512x32xf32, #tpu.memory_space<vmem>> -> memref<128x32xf32, #tpu.memory_space<vmem>>
      %dma_wait3A_55 = arith.constant 0 : i32
      %dma_wait3A_56 = tpu.memref_slice %arg6[%dma_wait3A_55] : memref<512xi32, #tpu.memory_space<vmem>> -> memref<128xi32, #tpu.memory_space<vmem>>
      %dma_wait3A_57 = arith.constant 0 : i32
      %dma_wait3A_58 = arith.constant 0 : i32
      %dma_wait3A_59 = tpu.memref_slice %arg2[%dma_wait3A_57, %dma_wait3A_58] : memref<2600000x32xf32, #tpu.memory_space<hbm>> -> memref<2600000x32xf32, #tpu.memory_space<hbm>>
      tpu.wait_indirect_dma semaphore(%arg8 : memref<!tpu.dma_semaphore, #tpu.memory_space<semaphore_mem>>) src(%dma_wait3A_59 : memref<2600000x32xf32, #tpu.memory_space<hbm>>) dst(%dma_wait3A_54 : memref<128x32xf32, #tpu.memory_space<vmem>>)
      %dma_wait3A_60 = arith.constant 128 : i32
      %dma_wait3A_61 = arith.constant 0 : i32
      %dma_wait3A_62 = tpu.memref_slice %arg7[%dma_wait3A_60, %dma_wait3A_61] : memref<512x32xf32, #tpu.memory_space<vmem>> -> memref<128x32xf32, #tpu.memory_space<vmem>>
      %dma_wait3A_63 = arith.constant 128 : i32
      %dma_wait3A_64 = tpu.memref_slice %arg6[%dma_wait3A_63] : memref<512xi32, #tpu.memory_space<vmem>> -> memref<128xi32, #tpu.memory_space<vmem>>
      %dma_wait3A_65 = arith.constant 0 : i32
      %dma_wait3A_66 = arith.constant 0 : i32
      %dma_wait3A_67 = tpu.memref_slice %arg2[%dma_wait3A_65, %dma_wait3A_66] : memref<2600000x32xf32, #tpu.memory_space<hbm>> -> memref<2600000x32xf32, #tpu.memory_space<hbm>>
      tpu.wait_indirect_dma semaphore(%arg8 : memref<!tpu.dma_semaphore, #tpu.memory_space<semaphore_mem>>) src(%dma_wait3A_67 : memref<2600000x32xf32, #tpu.memory_space<hbm>>) dst(%dma_wait3A_62 : memref<128x32xf32, #tpu.memory_space<vmem>>)
      %dma_wait3A_68 = arith.constant 256 : i32
      %dma_wait3A_69 = arith.constant 0 : i32
      %dma_wait3A_70 = tpu.memref_slice %arg7[%dma_wait3A_68, %dma_wait3A_69] : memref<512x32xf32, #tpu.memory_space<vmem>> -> memref<128x32xf32, #tpu.memory_space<vmem>>
      %dma_wait3A_71 = arith.constant 256 : i32
      %dma_wait3A_72 = tpu.memref_slice %arg6[%dma_wait3A_71] : memref<512xi32, #tpu.memory_space<vmem>> -> memref<128xi32, #tpu.memory_space<vmem>>
      %dma_wait3A_73 = arith.constant 0 : i32
      %dma_wait3A_74 = arith.constant 0 : i32
      %dma_wait3A_75 = tpu.memref_slice %arg2[%dma_wait3A_73, %dma_wait3A_74] : memref<2600000x32xf32, #tpu.memory_space<hbm>> -> memref<2600000x32xf32, #tpu.memory_space<hbm>>
      tpu.wait_indirect_dma semaphore(%arg8 : memref<!tpu.dma_semaphore, #tpu.memory_space<semaphore_mem>>) src(%dma_wait3A_75 : memref<2600000x32xf32, #tpu.memory_space<hbm>>) dst(%dma_wait3A_70 : memref<128x32xf32, #tpu.memory_space<vmem>>)
      %dma_wait3A_76 = arith.constant 384 : i32
      %dma_wait3A_77 = arith.constant 0 : i32
      %dma_wait3A_78 = tpu.memref_slice %arg7[%dma_wait3A_76, %dma_wait3A_77] : memref<512x32xf32, #tpu.memory_space<vmem>> -> memref<128x32xf32, #tpu.memory_space<vmem>>
      %dma_wait3A_79 = arith.constant 384 : i32
      %dma_wait3A_80 = tpu.memref_slice %arg6[%dma_wait3A_79] : memref<512xi32, #tpu.memory_space<vmem>> -> memref<128xi32, #tpu.memory_space<vmem>>
      %dma_wait3A_81 = arith.constant 0 : i32
      %dma_wait3A_82 = arith.constant 0 : i32
      %dma_wait3A_83 = tpu.memref_slice %arg2[%dma_wait3A_81, %dma_wait3A_82] : memref<2600000x32xf32, #tpu.memory_space<hbm>> -> memref<2600000x32xf32, #tpu.memory_space<hbm>>
      tpu.wait_indirect_dma semaphore(%arg8 : memref<!tpu.dma_semaphore, #tpu.memory_space<semaphore_mem>>) src(%dma_wait3A_83 : memref<2600000x32xf32, #tpu.memory_space<hbm>>) dst(%dma_wait3A_78 : memref<128x32xf32, #tpu.memory_space<vmem>>)
      %shift_right_logical3A = arith.constant 2 : i32
      %shift_right_logical3A_84 = arith.shrui %add3A_11, %shift_right_logical3A : i32
      %and3A = arith.constant 3 : i32
      %and3A_85 = arith.andi %add3A_11, %and3A : i32
      %mul3A_86 = arith.constant 32 : i32
      %mul3A_87 = arith.muli %and3A_85, %mul3A_86 : i32
      %mul3A_88 = arith.constant 16384 : i32
      %mul3A_89 = arith.muli %shift_right_logical3A_84, %mul3A_88 : i32
      %add3A_90 = arith.addi %mul3A_89, %mul3A_2 : i32
      "tpu.region"() ({
        %run_scoped3A = tpu.sem_alloc : memref<!tpu.dma_semaphore, #tpu.memory_space<semaphore_mem>>
        %dma_start3A_93 = tpu.memref_slice %arg4[%add3A_90, %mul3A_87] : memref<114688x128xf32, #tpu.memory_space<hbm>> -> memref<512x32xf32, #tpu.memory_space<hbm>>
        %dma_start3A_94 = tpu.memref_slice %arg4[%add3A_90, %mul3A_87] : memref<114688x128xf32, #tpu.memory_space<hbm>> -> memref<512x32xf32, #tpu.memory_space<hbm>>
        tpu.enqueue_dma source(%arg7 : memref<512x32xf32, #tpu.memory_space<vmem>>) target(%dma_start3A_94 : memref<512x32xf32, #tpu.memory_space<hbm>>) target_semaphore(%run_scoped3A : memref<!tpu.dma_semaphore, #tpu.memory_space<semaphore_mem>>)
        %dma_wait3A_95 = tpu.memref_slice %arg4[%add3A_90, %mul3A_87] : memref<114688x128xf32, #tpu.memory_space<hbm>> -> memref<512x32xf32, #tpu.memory_space<hbm>>
        %dma_wait3A_96 = tpu.memref_slice %arg4[%add3A_90, %mul3A_87] : memref<114688x128xf32, #tpu.memory_space<hbm>> -> memref<512x32xf32, #tpu.memory_space<hbm>>
        tpu.wait_dma2 semaphore(%run_scoped3A : memref<!tpu.dma_semaphore, #tpu.memory_space<semaphore_mem>>) src(%arg7 : memref<512x32xf32, #tpu.memory_space<vmem>>) dst(%dma_wait3A_96 : memref<512x32xf32, #tpu.memory_space<hbm>>)
        tpu.yield
      }) : () -> ()
      %ge3A = arith.constant 24 : i32
      %ge3A_91 = arith.cmpi sge, %add3A_11, %ge3A : i32
      %convert_element_type3A = arith.extui %ge3A_91 : i1 to i32
      %cond3A = arith.constant 0 : i32
      %cond3A_92 = arith.cmpi ne, %convert_element_type3A, %cond3A : i32
      scf.if %cond3A_92 {
        %mul3A_93 = arith.constant 16384 : i32
        %mul3A_94 = arith.muli %shift_right_logical3A_84, %mul3A_93 : i32
        %add3A_95 = arith.addi %mul3A_94, %mul3A_2 : i32
        %add3A_96 = arith.constant 64 : i32
        %add3A_97 = arith.addi %mul3A_87, %add3A_96 : i32
        "tpu.region"() ({
          %run_scoped3A = tpu.sem_alloc : memref<!tpu.dma_semaphore, #tpu.memory_space<semaphore_mem>>
          %dma_start3A_98 = tpu.memref_slice %arg4[%add3A_95, %add3A_97] : memref<114688x128xf32, #tpu.memory_space<hbm>> -> memref<512x32xf32, #tpu.memory_space<hbm>>
          %dma_start3A_99 = tpu.memref_slice %arg4[%add3A_95, %add3A_97] : memref<114688x128xf32, #tpu.memory_space<hbm>> -> memref<512x32xf32, #tpu.memory_space<hbm>>
          tpu.enqueue_dma source(%arg7 : memref<512x32xf32, #tpu.memory_space<vmem>>) target(%dma_start3A_99 : memref<512x32xf32, #tpu.memory_space<hbm>>) target_semaphore(%run_scoped3A : memref<!tpu.dma_semaphore, #tpu.memory_space<semaphore_mem>>)
          %dma_wait3A_100 = tpu.memref_slice %arg4[%add3A_95, %add3A_97] : memref<114688x128xf32, #tpu.memory_space<hbm>> -> memref<512x32xf32, #tpu.memory_space<hbm>>
          %dma_wait3A_101 = tpu.memref_slice %arg4[%add3A_95, %add3A_97] : memref<114688x128xf32, #tpu.memory_space<hbm>> -> memref<512x32xf32, #tpu.memory_space<hbm>>
          tpu.wait_dma2 semaphore(%run_scoped3A : memref<!tpu.dma_semaphore, #tpu.memory_space<semaphore_mem>>) src(%arg7 : memref<512x32xf32, #tpu.memory_space<vmem>>) dst(%dma_wait3A_101 : memref<512x32xf32, #tpu.memory_space<hbm>>)
          tpu.yield
        }) : () -> ()
      } else {
      }
    }
    %scan3A_6 = arith.constant 26 : i32
    return
  }
}

module attributes {stable_mosaic.version = 14 : i64} {
  func.func @_mlp_kernel(%arg0: i32, %arg1: memref<7x1024x128xf32, #tpu.memory_space<vmem>>, %arg2: memref<1024x16xf32, #tpu.memory_space<vmem>>, %arg3: memref<7x128x512xf32, #tpu.memory_space<vmem>>, %arg4: memref<16x512xf32, #tpu.memory_space<vmem>>, %arg5: memref<1x512xf32, #tpu.memory_space<vmem>>, %arg6: memref<512x256xf32, #tpu.memory_space<vmem>>, %arg7: memref<1x256xf32, #tpu.memory_space<vmem>>, %arg8: memref<256x128xf32, #tpu.memory_space<vmem>>, %arg9: memref<1x128xf32, #tpu.memory_space<vmem>>, %arg10: memref<1024x128xf32, #tpu.memory_space<vmem>>) attributes {dimension_semantics = [#tpu.dimension_semantics<arbitrary>], iteration_bounds = array<i64: 16>, scalar_prefetch = 0 : i64, scratch_operands = 0 : i64, tpu.core_type = #tpu.core_type<tc>, window_params = [{transform_indices = @transform_0, window_bounds = array<i64: 7, 1024, 128>}, {transform_indices = @transform_1, window_bounds = array<i64: 1024, 16>}, {pipeline_mode = #tpu.pipeline_mode<synchronous>, transform_indices = @transform_2, window_bounds = array<i64: 7, 128, 512>}, {pipeline_mode = #tpu.pipeline_mode<synchronous>, transform_indices = @transform_3, window_bounds = array<i64: 16, 512>}, {pipeline_mode = #tpu.pipeline_mode<synchronous>, transform_indices = @transform_4, window_bounds = array<i64: 1, 512>}, {pipeline_mode = #tpu.pipeline_mode<synchronous>, transform_indices = @transform_5, window_bounds = array<i64: 512, 256>}, {pipeline_mode = #tpu.pipeline_mode<synchronous>, transform_indices = @transform_6, window_bounds = array<i64: 1, 256>}, {pipeline_mode = #tpu.pipeline_mode<synchronous>, transform_indices = @transform_7, window_bounds = array<i64: 256, 128>}, {pipeline_mode = #tpu.pipeline_mode<synchronous>, transform_indices = @transform_8, window_bounds = array<i64: 1, 128>}, {transform_indices = @transform_9, window_bounds = array<i64: 1024, 128>}]} {
    %get3A = arith.constant 0 : index
    %get3A_0 = arith.constant 0 : index
    %get3A_1 = vector.load %arg2[%get3A, %get3A_0] : memref<1024x16xf32, #tpu.memory_space<vmem>>, vector<1024x16xf32>
    %get3A_2 = arith.constant 0 : index
    %get3A_3 = arith.constant 0 : index
    %get3A_4 = vector.load %arg4[%get3A_2, %get3A_3] : memref<16x512xf32, #tpu.memory_space<vmem>>, vector<16x512xf32>
    %dot_general3A = arith.constant dense<0.000000e+00> : vector<1024x512xf32>
    %dot_general3A_5 = tpu.matmul %get3A_1, %get3A_4, %dot_general3A {dimension_numbers = #tpu.dot_dimension_numbers<[1], [0], [0], [1], [0, 0, 1, 1], [], []>, transpose_lhs_hint = false} : vector<1024x16xf32>, vector<16x512xf32>, vector<1024x512xf32> -> vector<1024x512xf32>
    %get3A_6 = arith.constant 0 : index
    %get3A_7 = arith.constant 0 : index
    %get3A_8 = arith.constant 0 : index
    %get3A_9 = vector.load %arg1[%get3A_6, %get3A_7, %get3A_8] : memref<7x1024x128xf32, #tpu.memory_space<vmem>>, vector<1x1024x128xf32>
    %get3A_10 = vector.shape_cast %get3A_9 : vector<1x1024x128xf32> to vector<1024x128xf32>
    %get3A_11 = arith.constant 0 : index
    %get3A_12 = arith.constant 0 : index
    %get3A_13 = arith.constant 0 : index
    %get3A_14 = vector.load %arg3[%get3A_11, %get3A_12, %get3A_13] : memref<7x128x512xf32, #tpu.memory_space<vmem>>, vector<1x128x512xf32>
    %get3A_15 = vector.shape_cast %get3A_14 : vector<1x128x512xf32> to vector<128x512xf32>
    %dot_general3A_16 = arith.constant dense<0.000000e+00> : vector<1024x512xf32>
    %dot_general3A_17 = tpu.matmul %get3A_10, %get3A_15, %dot_general3A_16 {dimension_numbers = #tpu.dot_dimension_numbers<[1], [0], [0], [1], [0, 0, 1, 1], [], []>, transpose_lhs_hint = false} : vector<1024x128xf32>, vector<128x512xf32>, vector<1024x512xf32> -> vector<1024x512xf32>
    %add3A = arith.addf %dot_general3A_5, %dot_general3A_17 : vector<1024x512xf32>
    %get3A_18 = arith.constant 1 : index
    %get3A_19 = arith.constant 0 : index
    %get3A_20 = arith.constant 0 : index
    %get3A_21 = vector.load %arg1[%get3A_18, %get3A_19, %get3A_20] : memref<7x1024x128xf32, #tpu.memory_space<vmem>>, vector<1x1024x128xf32>
    %get3A_22 = vector.shape_cast %get3A_21 : vector<1x1024x128xf32> to vector<1024x128xf32>
    %get3A_23 = arith.constant 1 : index
    %get3A_24 = arith.constant 0 : index
    %get3A_25 = arith.constant 0 : index
    %get3A_26 = vector.load %arg3[%get3A_23, %get3A_24, %get3A_25] : memref<7x128x512xf32, #tpu.memory_space<vmem>>, vector<1x128x512xf32>
    %get3A_27 = vector.shape_cast %get3A_26 : vector<1x128x512xf32> to vector<128x512xf32>
    %dot_general3A_28 = arith.constant dense<0.000000e+00> : vector<1024x512xf32>
    %dot_general3A_29 = tpu.matmul %get3A_22, %get3A_27, %dot_general3A_28 {dimension_numbers = #tpu.dot_dimension_numbers<[1], [0], [0], [1], [0, 0, 1, 1], [], []>, transpose_lhs_hint = false} : vector<1024x128xf32>, vector<128x512xf32>, vector<1024x512xf32> -> vector<1024x512xf32>
    %add3A_30 = arith.addf %add3A, %dot_general3A_29 : vector<1024x512xf32>
    %get3A_31 = arith.constant 2 : index
    %get3A_32 = arith.constant 0 : index
    %get3A_33 = arith.constant 0 : index
    %get3A_34 = vector.load %arg1[%get3A_31, %get3A_32, %get3A_33] : memref<7x1024x128xf32, #tpu.memory_space<vmem>>, vector<1x1024x128xf32>
    %get3A_35 = vector.shape_cast %get3A_34 : vector<1x1024x128xf32> to vector<1024x128xf32>
    %get3A_36 = arith.constant 2 : index
    %get3A_37 = arith.constant 0 : index
    %get3A_38 = arith.constant 0 : index
    %get3A_39 = vector.load %arg3[%get3A_36, %get3A_37, %get3A_38] : memref<7x128x512xf32, #tpu.memory_space<vmem>>, vector<1x128x512xf32>
    %get3A_40 = vector.shape_cast %get3A_39 : vector<1x128x512xf32> to vector<128x512xf32>
    %dot_general3A_41 = arith.constant dense<0.000000e+00> : vector<1024x512xf32>
    %dot_general3A_42 = tpu.matmul %get3A_35, %get3A_40, %dot_general3A_41 {dimension_numbers = #tpu.dot_dimension_numbers<[1], [0], [0], [1], [0, 0, 1, 1], [], []>, transpose_lhs_hint = false} : vector<1024x128xf32>, vector<128x512xf32>, vector<1024x512xf32> -> vector<1024x512xf32>
    %add3A_43 = arith.addf %add3A_30, %dot_general3A_42 : vector<1024x512xf32>
    %get3A_44 = arith.constant 3 : index
    %get3A_45 = arith.constant 0 : index
    %get3A_46 = arith.constant 0 : index
    %get3A_47 = vector.load %arg1[%get3A_44, %get3A_45, %get3A_46] : memref<7x1024x128xf32, #tpu.memory_space<vmem>>, vector<1x1024x128xf32>
    %get3A_48 = vector.shape_cast %get3A_47 : vector<1x1024x128xf32> to vector<1024x128xf32>
    %get3A_49 = arith.constant 3 : index
    %get3A_50 = arith.constant 0 : index
    %get3A_51 = arith.constant 0 : index
    %get3A_52 = vector.load %arg3[%get3A_49, %get3A_50, %get3A_51] : memref<7x128x512xf32, #tpu.memory_space<vmem>>, vector<1x128x512xf32>
    %get3A_53 = vector.shape_cast %get3A_52 : vector<1x128x512xf32> to vector<128x512xf32>
    %dot_general3A_54 = arith.constant dense<0.000000e+00> : vector<1024x512xf32>
    %dot_general3A_55 = tpu.matmul %get3A_48, %get3A_53, %dot_general3A_54 {dimension_numbers = #tpu.dot_dimension_numbers<[1], [0], [0], [1], [0, 0, 1, 1], [], []>, transpose_lhs_hint = false} : vector<1024x128xf32>, vector<128x512xf32>, vector<1024x512xf32> -> vector<1024x512xf32>
    %add3A_56 = arith.addf %add3A_43, %dot_general3A_55 : vector<1024x512xf32>
    %get3A_57 = arith.constant 4 : index
    %get3A_58 = arith.constant 0 : index
    %get3A_59 = arith.constant 0 : index
    %get3A_60 = vector.load %arg1[%get3A_57, %get3A_58, %get3A_59] : memref<7x1024x128xf32, #tpu.memory_space<vmem>>, vector<1x1024x128xf32>
    %get3A_61 = vector.shape_cast %get3A_60 : vector<1x1024x128xf32> to vector<1024x128xf32>
    %get3A_62 = arith.constant 4 : index
    %get3A_63 = arith.constant 0 : index
    %get3A_64 = arith.constant 0 : index
    %get3A_65 = vector.load %arg3[%get3A_62, %get3A_63, %get3A_64] : memref<7x128x512xf32, #tpu.memory_space<vmem>>, vector<1x128x512xf32>
    %get3A_66 = vector.shape_cast %get3A_65 : vector<1x128x512xf32> to vector<128x512xf32>
    %dot_general3A_67 = arith.constant dense<0.000000e+00> : vector<1024x512xf32>
    %dot_general3A_68 = tpu.matmul %get3A_61, %get3A_66, %dot_general3A_67 {dimension_numbers = #tpu.dot_dimension_numbers<[1], [0], [0], [1], [0, 0, 1, 1], [], []>, transpose_lhs_hint = false} : vector<1024x128xf32>, vector<128x512xf32>, vector<1024x512xf32> -> vector<1024x512xf32>
    %add3A_69 = arith.addf %add3A_56, %dot_general3A_68 : vector<1024x512xf32>
    %get3A_70 = arith.constant 5 : index
    %get3A_71 = arith.constant 0 : index
    %get3A_72 = arith.constant 0 : index
    %get3A_73 = vector.load %arg1[%get3A_70, %get3A_71, %get3A_72] : memref<7x1024x128xf32, #tpu.memory_space<vmem>>, vector<1x1024x128xf32>
    %get3A_74 = vector.shape_cast %get3A_73 : vector<1x1024x128xf32> to vector<1024x128xf32>
    %get3A_75 = arith.constant 5 : index
    %get3A_76 = arith.constant 0 : index
    %get3A_77 = arith.constant 0 : index
    %get3A_78 = vector.load %arg3[%get3A_75, %get3A_76, %get3A_77] : memref<7x128x512xf32, #tpu.memory_space<vmem>>, vector<1x128x512xf32>
    %get3A_79 = vector.shape_cast %get3A_78 : vector<1x128x512xf32> to vector<128x512xf32>
    %dot_general3A_80 = arith.constant dense<0.000000e+00> : vector<1024x512xf32>
    %dot_general3A_81 = tpu.matmul %get3A_74, %get3A_79, %dot_general3A_80 {dimension_numbers = #tpu.dot_dimension_numbers<[1], [0], [0], [1], [0, 0, 1, 1], [], []>, transpose_lhs_hint = false} : vector<1024x128xf32>, vector<128x512xf32>, vector<1024x512xf32> -> vector<1024x512xf32>
    %add3A_82 = arith.addf %add3A_69, %dot_general3A_81 : vector<1024x512xf32>
    %get3A_83 = arith.constant 6 : index
    %get3A_84 = arith.constant 0 : index
    %get3A_85 = arith.constant 0 : index
    %get3A_86 = vector.load %arg1[%get3A_83, %get3A_84, %get3A_85] : memref<7x1024x128xf32, #tpu.memory_space<vmem>>, vector<1x1024x128xf32>
    %get3A_87 = vector.shape_cast %get3A_86 : vector<1x1024x128xf32> to vector<1024x128xf32>
    %get3A_88 = arith.constant 6 : index
    %get3A_89 = arith.constant 0 : index
    %get3A_90 = arith.constant 0 : index
    %get3A_91 = vector.load %arg3[%get3A_88, %get3A_89, %get3A_90] : memref<7x128x512xf32, #tpu.memory_space<vmem>>, vector<1x128x512xf32>
    %get3A_92 = vector.shape_cast %get3A_91 : vector<1x128x512xf32> to vector<128x512xf32>
    %dot_general3A_93 = arith.constant dense<0.000000e+00> : vector<1024x512xf32>
    %dot_general3A_94 = tpu.matmul %get3A_87, %get3A_92, %dot_general3A_93 {dimension_numbers = #tpu.dot_dimension_numbers<[1], [0], [0], [1], [0, 0, 1, 1], [], []>, transpose_lhs_hint = false} : vector<1024x128xf32>, vector<128x512xf32>, vector<1024x512xf32> -> vector<1024x512xf32>
    %add3A_95 = arith.addf %add3A_82, %dot_general3A_94 : vector<1024x512xf32>
    %get3A_96 = arith.constant 0 : index
    %get3A_97 = arith.constant 0 : index
    %get3A_98 = vector.load %arg5[%get3A_96, %get3A_97] : memref<1x512xf32, #tpu.memory_space<vmem>>, vector<1x512xf32>
    %add3A_99 = vector.broadcast %get3A_98 : vector<1x512xf32> to vector<1024x512xf32>
    %add3A_100 = arith.addf %add3A_95, %add3A_99 : vector<1024x512xf32>
    %max3A = arith.constant 0.000000e+00 : f32
    %max3A_101 = vector.broadcast %max3A : f32 to vector<1024x512xf32>
    %max3A_102 = arith.maximumf %add3A_100, %max3A_101 : vector<1024x512xf32>
    %get3A_103 = arith.constant 0 : index
    %get3A_104 = arith.constant 0 : index
    %get3A_105 = vector.load %arg6[%get3A_103, %get3A_104] : memref<512x256xf32, #tpu.memory_space<vmem>>, vector<512x256xf32>
    %dot_general3A_106 = arith.constant dense<0.000000e+00> : vector<1024x256xf32>
    %dot_general3A_107 = tpu.matmul %max3A_102, %get3A_105, %dot_general3A_106 {dimension_numbers = #tpu.dot_dimension_numbers<[1], [0], [0], [1], [0, 0, 1, 1], [], []>, transpose_lhs_hint = false} : vector<1024x512xf32>, vector<512x256xf32>, vector<1024x256xf32> -> vector<1024x256xf32>
    %get3A_108 = arith.constant 0 : index
    %get3A_109 = arith.constant 0 : index
    %get3A_110 = vector.load %arg7[%get3A_108, %get3A_109] : memref<1x256xf32, #tpu.memory_space<vmem>>, vector<1x256xf32>
    %add3A_111 = vector.broadcast %get3A_110 : vector<1x256xf32> to vector<1024x256xf32>
    %add3A_112 = arith.addf %dot_general3A_107, %add3A_111 : vector<1024x256xf32>
    %max3A_113 = arith.constant 0.000000e+00 : f32
    %max3A_114 = vector.broadcast %max3A_113 : f32 to vector<1024x256xf32>
    %max3A_115 = arith.maximumf %add3A_112, %max3A_114 : vector<1024x256xf32>
    %get3A_116 = arith.constant 0 : index
    %get3A_117 = arith.constant 0 : index
    %get3A_118 = vector.load %arg8[%get3A_116, %get3A_117] : memref<256x128xf32, #tpu.memory_space<vmem>>, vector<256x128xf32>
    %dot_general3A_119 = arith.constant dense<0.000000e+00> : vector<1024x128xf32>
    %dot_general3A_120 = tpu.matmul %max3A_115, %get3A_118, %dot_general3A_119 {dimension_numbers = #tpu.dot_dimension_numbers<[1], [0], [0], [1], [0, 0, 1, 1], [], []>, transpose_lhs_hint = false} : vector<1024x256xf32>, vector<256x128xf32>, vector<1024x128xf32> -> vector<1024x128xf32>
    %get3A_121 = arith.constant 0 : index
    %get3A_122 = arith.constant 0 : index
    %get3A_123 = vector.load %arg9[%get3A_121, %get3A_122] : memref<1x128xf32, #tpu.memory_space<vmem>>, vector<1x128xf32>
    %add3A_124 = vector.broadcast %get3A_123 : vector<1x128xf32> to vector<1024x128xf32>
    %add3A_125 = arith.addf %dot_general3A_120, %add3A_124 : vector<1024x128xf32>
    %max3A_126 = arith.constant 0.000000e+00 : f32
    %max3A_127 = vector.broadcast %max3A_126 : f32 to vector<1024x128xf32>
    %max3A_128 = arith.maximumf %add3A_125, %max3A_127 : vector<1024x128xf32>
    %swap3A = arith.constant 0 : index
    %swap3A_129 = arith.constant 0 : index
    %swap3A_130 = vector.load %arg10[%swap3A, %swap3A_129] : memref<1024x128xf32, #tpu.memory_space<vmem>>, vector<1024x128xf32>
    tpu.vector_store %arg10[%swap3A, %swap3A_129], %max3A_128 {strides = array<i32>} : memref<1024x128xf32, #tpu.memory_space<vmem>>, vector<1024x128xf32>,
    return
  }
  func.func @transform_0(%arg0: i32) -> (i32, i32, i32) {
    %c0_i32 = arith.constant 0 : i32
    %c0_i32_0 = arith.constant 0 : i32
    %c0_i32_1 = arith.constant 0 : i32
    return %c0_i32, %arg0, %c0_i32_0 : i32, i32, i32
  }
  func.func @transform_1(%arg0: i32) -> (i32, i32) {
    %c0_i32 = arith.constant 0 : i32
    %c0_i32_0 = arith.constant 0 : i32
    return %arg0, %c0_i32 : i32, i32
  }
  func.func @transform_2(%arg0: i32) -> (i32, i32, i32) {
    %c0_i32 = arith.constant 0 : i32
    %c0_i32_0 = arith.constant 0 : i32
    %c0_i32_1 = arith.constant 0 : i32
    %c0_i32_2 = arith.constant 0 : i32
    return %c0_i32, %c0_i32_0, %c0_i32_1 : i32, i32, i32
  }
  func.func @transform_3(%arg0: i32) -> (i32, i32) {
    %c0_i32 = arith.constant 0 : i32
    %c0_i32_0 = arith.constant 0 : i32
    %c0_i32_1 = arith.constant 0 : i32
    return %c0_i32, %c0_i32_0 : i32, i32
  }
  func.func @transform_4(%arg0: i32) -> (i32, i32) {
    %c0_i32 = arith.constant 0 : i32
    %c0_i32_0 = arith.constant 0 : i32
    %c0_i32_1 = arith.constant 0 : i32
    return %c0_i32, %c0_i32_0 : i32, i32
  }
  func.func @transform_5(%arg0: i32) -> (i32, i32) {
    %c0_i32 = arith.constant 0 : i32
    %c0_i32_0 = arith.constant 0 : i32
    %c0_i32_1 = arith.constant 0 : i32
    return %c0_i32, %c0_i32_0 : i32, i32
  }
  func.func @transform_6(%arg0: i32) -> (i32, i32) {
    %c0_i32 = arith.constant 0 : i32
    %c0_i32_0 = arith.constant 0 : i32
    %c0_i32_1 = arith.constant 0 : i32
    return %c0_i32, %c0_i32_0 : i32, i32
  }
  func.func @transform_7(%arg0: i32) -> (i32, i32) {
    %c0_i32 = arith.constant 0 : i32
    %c0_i32_0 = arith.constant 0 : i32
    %c0_i32_1 = arith.constant 0 : i32
    return %c0_i32, %c0_i32_0 : i32, i32
  }
  func.func @transform_8(%arg0: i32) -> (i32, i32) {
    %c0_i32 = arith.constant 0 : i32
    %c0_i32_0 = arith.constant 0 : i32
    %c0_i32_1 = arith.constant 0 : i32
    return %c0_i32, %c0_i32_0 : i32, i32
  }
  func.func @transform_9(%arg0: i32) -> (i32, i32) {
    %c0_i32 = arith.constant 0 : i32
    %c0_i32_0 = arith.constant 0 : i32
    return %arg0, %c0_i32 : i32, i32
  }
}

</mosaic_0001>

<sc_bundles>
// kernel: kernel.4.cloned.1.call-start
scs
__scs_entry_jumppad:
0x0: {  	(pc) =	sbr.rel $0x88, $3  }
0x1: {  	(tag) =	ssettag $0x0;
	lr =	simm.s32 $0x1  }
0x2: {  	[smem:$0x3F98] =	sst lr;
	_ =	strace $0xD0000000  }
0x3: {  	_ = 	snop  }
0x4: {  	_ = 	snop  }
0x5: {  	_ = 	snop  }
0x6: {  	_ = 	snop  }
0x7: {  	_ = 	snop  }
__scs_overlays_trampoline_lowered:
0x8: {  	[smem:$0x3FA7] =	sst s0  }
0x9: {  	[smem:$0x3FA8] =	sst s1  }
0xa: {  	[smem:$0x3FA9] =	sst s2  }
0xb: {  	[smem:$0x3FAA] =	sst s3  }
0xc: {  	[smem:$0x3FAB] =	sst s4  }
0xd: {  	[smem:$0x3FAC] =	sst s5  }
0xe: {  	[smem:$0x3FAD] =	sst s6  }
0xf: {  	[smem:$0x3FAE] =	sst s7  }
0x10: {  	[smem:$0x3FAF] =	sst s8  }
0x11: {  	[smem:$0x3FB0] =	sst s9;
	s0 =	simm.s32 @!p0 $0x0  }
0x12: {  	s1 =	sld [smem:$0x3F96];
	s0 =	simm.s32 @p0 $0x1  }
0x13: {  	[smem:$0x3FB1] =	sst s0;
	s0 =	simm.s32 @!p1 $0x0  }
0x14: {  	s2 =	sld [smem:$0x3F95];
	s0 =	simm.s32 @p1 $0x1  }
0x15: {  	[smem:$0x3FB2] =	sst s0;
	s0 =	simm.s32 @!p2 $0x0  }
0x16: {  	s3 =	sld [smem:$0x3FDB];
	s0 =	simm.s32 @p2 $0x1  }
0x17: {  	s4 =	simm.s32 $0x1BF5;
	[smem:$0x3FB4] =	sst s0  }
0x18: {  	s0 =	sld [smem:$0x3F97];
	_ =	swait.ge [sflag:s4], $0x0  }
0x19: {  	s7 =	sld [smem:$0x3F98]  }
0x1a: {  	s8 =	sadd.s32 $0xFFFFE003, lr  }
0x1b: {  	s9 =	sadd.s32 $0xFFFFFEF7, lr;
	s5 =	simm.s32 $0xFFFFFFFF;
	p2 =	slt.u32 s8, $0xFFFFF086  }
0x1c: {  	p1 =	slt.u32 s9, $0xF7A;
	s5 =	simm.s32 @!p2 $0x0  }
0x1d: {  	s5 =	simm.s32 @p1 $0x1;
	p0 =	seq.s32 s7, s2  }
0x1e: {  	s7 =	smul.u32 @!p0 $0xF7A, s2;
	p2 =	seq.s32 @!p0 s5, $0x0  }
0x1f: {  	s9 =	smul.u32 $0xF7A, s1;
	s8 =	simm.s32 @!p0 $0x1BF5;
	p2 =	por !p2, p0  }
0x20: {  	[sflag:s8] =	ssyncset.s32 @!p0 $0xFFFFF086;
	s6 =	sadd.s32 @!p0 s3, s7;
	s7 =	simm.s32 @!p0 $0x108  }
0x21: {  	s3 =	sadd.s32 s3, s9;
	s6 =	sadd.s32 @!p0 $0x88, s6;
	s7 =	simm.s32 @p2 $0x1082  }
0x22: {  	[simem:s7], [sflag:s8] =	dma.local @!p0 [hbm:s6], $0xF7A  }
0x23: {  	s9 =	sor.u32 $0xD0000000, s2;
	s6 =	simm.s32 $0x108;
	_ =	swait.ge @!p0 [sflag:s8], $0x0  }
0x24: {  	s3 =	sadd.s32 $0x88, s3;
	s6 =	simm.s32 @!p1 $0x1082;
	[sflag:s4] =	ssyncset.s32 $0xFFFFF086  }
0x25: {  	[simem:s6], [sflag:s4] =	dma.local [hbm:s3], $0xF7A  }
0x26: {  	[smem:$0x3F98] =	sst s1;
	(tag) =	ssettag s2;
	_ =	strace s9  }
0x27: {  	s1 =	sld [smem:$0x3FA8]  }
0x28: {  	s2 =	sld [smem:$0x3FA9]  }
0x29: {  	s4 =	sld [smem:$0x3FAB]  }
0x2a: {  	p0 =	seq.s32 s5, $0x0;
	s5 =	sld [smem:$0x3FAC]  }
0x2b: {  	s6 =	sld [smem:$0x3FAD]  }
0x2c: {  	s7 =	sld [smem:$0x3FAE]  }
0x2d: {  	s3 =	simm.s32 $0x108;
	s8 =	sld [smem:$0x3FAF]  }
0x2e: {  	s3 =	simm.s32 @!p0 $0x1082;
	s9 =	sld [smem:$0x3FB0]  }
0x2f: {  	lr =	sadd.s32 s0, s3;
	s0 =	sld [smem:$0x3FA7]  }
0x30: {  	s3 =	sld [smem:$0x3FAA]  }
0x31: {  	[smem:$0x3FB3] =	sst s10  }
0x32: {  	s10 =	sld [smem:$0x3FB1];
	_ =	sdelay $0x3  }
0x33: {  	p0 =	seq.s32 s10, $0x1;
	s10 =	sld [smem:$0x3FB3];
	_ =	sdelay $0x3  }
0x34: {  	[smem:$0x3FB3] =	sst s10  }
0x35: {  	s10 =	sld [smem:$0x3FB2];
	_ =	sdelay $0x3  }
0x36: {  	p1 =	seq.s32 s10, $0x1;
	s10 =	sld [smem:$0x3FB3];
	_ =	sdelay $0x3  }
0x37: {  	[smem:$0x3FB3] =	sst s10  }
0x38: {  	s10 =	sld [smem:$0x3FB4]  }
0x39: {  	_ = 	snop;
	(pc) =	sbr.ind lr, $3  }
0x3a: {  	_ = 	snop  }
0x3b: {  	_ = 	snop  }
0x3c: {  	p2 =	seq.s32 s10, $0x1;
	s10 =	sld [smem:$0x3FB3]  }
0x3d: {  	_ =	shalt  }
0x3e: {  	_ =	shalt  }
0x3f: {  	_ =	shalt  }
0x40: {  	_ =	shalt  }
0x41: {  	_ =	shalt  }
0x42: {  	_ =	shalt  }
0x43: {  	_ =	shalt  }
0x44: {  	_ =	shalt  }
0x45: {  	_ =	shalt  }
0x46: {  	_ =	shalt  }
0x47: {  	_ =	shalt  }
0x48: {  	_ =	shalt  }
0x49: {  	_ =	shalt  }
0x4a: {  	_ =	shalt  }
0x4b: {  	_ =	shalt  }
0x4c: {  	_ =	shalt  }
0x4d: {  	_ =	shalt  }
0x4e: {  	_ =	shalt  }
0x4f: {  	_ =	shalt  }
0x50: {  	_ =	shalt  }
0x51: {  	_ =	shalt  }
0x52: {  	_ =	shalt  }
0x53: {  	_ =	shalt  }
0x54: {  	_ =	shalt  }
0x55: {  	_ =	shalt  }
0x56: {  	_ =	shalt  }
0x57: {  	_ =	shalt  }
0x58: {  	_ =	shalt  }
0x59: {  	_ =	shalt  }
0x5a: {  	_ =	shalt  }
0x5b: {  	_ =	shalt  }
0x5c: {  	_ =	shalt  }
0x5d: {  	_ =	shalt  }
0x5e: {  	_ =	shalt  }
0x5f: {  	_ =	shalt  }
0x60: {  	_ =	shalt  }
0x61: {  	_ =	shalt  }
0x62: {  	_ =	shalt  }
0x63: {  	_ =	shalt  }
0x64: {  	_ =	shalt  }
0x65: {  	_ =	shalt  }
0x66: {  	_ =	shalt  }
0x67: {  	_ =	shalt  }
0x68: {  	_ =	shalt  }
0x69: {  	_ =	shalt  }
0x6a: {  	_ =	shalt  }
0x6b: {  	_ =	shalt  }
0x6c: {  	_ =	shalt  }
0x6d: {  	_ =	shalt  }
0x6e: {  	_ =	shalt  }
0x6f: {  	_ =	shalt  }
0x70: {  	_ =	shalt  }
0x71: {  	_ =	shalt  }
0x72: {  	_ =	shalt  }
0x73: {  	_ =	shalt  }
0x74: {  	_ =	shalt  }
0x75: {  	_ =	shalt  }
0x76: {  	_ =	shalt  }
0x77: {  	_ =	shalt  }
0x78: {  	_ =	shalt  }
0x79: {  	_ =	shalt  }
0x7a: {  	_ =	shalt  }
0x7b: {  	_ =	shalt  }
0x7c: {  	_ =	shalt  }
0x7d: {  	_ =	shalt  }
0x7e: {  	_ =	shalt  }
0x7f: {  	_ =	shalt  }
0x80: {  	_ =	shalt  }
0x81: {  	_ =	shalt  }
0x82: {  	_ =	shalt  }
0x83: {  	_ =	shalt  }
0x84: {  	_ =	shalt  }
0x85: {  	_ =	shalt  }
0x86: {  	_ =	shalt  }
0x87: {  	_ =	shalt  }
.Lfunc_end0:
.L_simem_size_0:
called_computation_lowered:
.L_overlay_start_0:
0x88: {  	s2 =	sld [smem:$0x3FD9]  }
0x89: {  	s3 =	sld [smem:$0x3FFE];
	_ =	sdelay $0x1  }
0x8a: {  	s1 =	srdreg.scid  }
0x8b: {  	s0 =	sand.u32 $0x1, s1  }
0x8c: {  	s17 =	sshll.u32 s0, $0xA;
	s2 =	sadd.s32 s3, s2  }
0x8d: {  	s2 =	sadd.s32 s2, s17  }
0x8e: {  	[smem:$0x3FBF] =	sst s2  }
0x8f: {  	_ = 	snop  }
0x90: {  	s2 =	sld [smem:$0x3FD0];
	(tm) =	ssettm $0x1  }
0x91: {  	s18 =	sld [smem:$0x3FFB];
	_ =	sdelay $0x3  }
0x92: {  	_ =	strace s18  }
0x93: {  	s3 =	sld [smem:$0x3FFC];
	_ =	sdelay $0x3  }
0x94: {  	_ =	strace s3  }
0x95: {  	s3 =	sld [smem:$0x3FFD];
	_ =	sdelay $0x3  }
0x96: {  	_ =	strace s3  }
0x97: {  	_ =	strace $0x8FFFFFFF  }
0x98: {  	s19 =	sld [smem:$0x3FDB];
	_ =	sdelay $0x1  }
0x99: {  	s4 =	simm.s32 $_scs_section_size  }
0x9a: {  	s5 =	simm.s32 $_size__tile_overlayer_lowered;
	s6 =	simm.s32 $_tile_overlayer_lowered  }
0x9b: {  	s22 =	simm.s32 $0x1BFF;
	s21 =	sshll.u32 s6, $0x1;
	s3 =	sadd.s32 s4, s19  }
0x9c: {  	s7 =	simm.s32 $0x0;
	s20 =	sshll.u32 s5, $0x1;
	s5 =	sadd.s32 s21, s3  }
0x9d: {  	[timem:s7], [sflag:s22] =	dma.local [hbm:s5], s20  }
0x9e: {  	_ =	swait.ge [sflag:s22], s20  }
0x9f: {  	s4 =	ssub.s32 $0x0, s20;
	[sflag:s22] =	ssyncset.done $0x0  }
0xa0: {  	[sflag:s22] =	ssyncadd.s32 s4;
	_ =	sdelay $0x1  }
0xa1: {  	s23 =	simm.s32 $0x1B8B  }
0xa2: {  	_ =	swait.ge [sflag:s23], $0x1  }
0xa3: {  	[sflag:s23] =	ssyncset.done $0x0  }
0xa4: {  	s25 =	simm.s32 $0x1B8E;
	s24 =	sld [smem:$0x3FFE];
	[sflag:s23] =	ssyncadd.s32 $0xFFFFFFFF  }
0xa5: {  	s26 =	simm.s32 $execute0_lowered;
	[smem:$0x3FD2] =	sst s25  }
0xa6: {  	s5 =	sshll.u32 s26, $0x1;
	_ =	strace $0x80000046;
	[dreg:$0x1] =	wrdreg $0xFFFFFFFF  }
0xa7: {  	s28 =	simm.s32 $_size_execute0_lowered;
	s3 =	sadd.s32 s3, s5;
	[dreg:$0x0] =	wrdreg $0x0  }
0xa8: {  	s5 =	sshll.u32 s28, $0x1;
	[dreg:$0x2] =	wrdreg s3  }
0xa9: {  	[dreg:$0x3] =	wrdreg s5  }
0xaa: {  	[dreg:$0x4] =	wrdreg $0xC0  }
0xab: {  	_ =	task [dreg:s7], $0x5FFFF  }
0xac: {  	[dreg:$0x1] =	wrdreg $0xFFFFFFFF  }
0xad: {  	[dreg:$0x0] =	wrdreg $0x60  }
0xae: {  	[dreg:$0x2] =	wrdreg s24  }
0xaf: {  	[dreg:$0x3] =	wrdreg s2  }
0xb0: {  	[dreg:$0x4] =	wrdreg $0x9  }
0xb1: {  	_ =	task.clear_ibuf [dreg:s7], $0x5FFFF;
	_ =	strace $0x90000046  }
0xb2: {  	s29 =	simm.s32 $0x9;
	_ =	strace $0x80000048  }
0xb3: {  	_ =	swait.ge [sflag:s29], $0x1  }
0xb4: {  	[sflag:s29] =	ssyncadd.s32 $0xFFFFFFFF  }
0xb5: {  	_ =	strace $0x90000048  }
0xb6: {  	_ =	sfence  }
0xb7: {  	s30 =	sld [smem:$0x0];
	_ =	sdelay $0x2  }
0xb8: {  	s31 =	sshll.u32 s1, $0xD;
	s1 =	sshrl.u32 s1, $0x2  }
0xb9: {  	s3 =	sand.u32 $0x4000, s31;
	s1 =	sadd.s32 s1, s30  }
0xba: {  	s0 =	sor.u32 s3, s0;
	s1 =	sshll.u32 s1, $0x11  }
0xbb: {  	s0 =	sor.u32 s1, s0  }
0xbc: {  	s0 =	sadd.s32 $0x8F2B, s0  }
0xbd: {  	[sflag:s0] =	ssyncadd.remote.s32 $0x1  }
0xbe: {  	_ =	sfence.sel $0xFFFF  }
0xbf: {  	[dreg:$0x0] =	wrdreg $0xFFFFFFFF;
	(pc) =	sbr.abs _section_cstart, $3  }
0xc0: {  	[dreg:$0x1] =	wrdreg $0xFFFFFFFF  }
0xc1: {  	_ =	task.clear_ibuf [dreg:s7], $0x2FFFF;
	_ =	strace $0x9FFFFFFF  }
0xc2: {  	(tm) =	ssettm $0x7FFFFFFF  }
0xc3: {  	_ =	shalt  }
tec
execute0_lowered:
.L_overlay_start_1:
0x0: {  	(tag) =	ssettag $0x1  }
0x1: {  	s5 =	rddreg [dreg:$0x0]  }
0x2: {  	s6 =	rddreg [dreg:$0x1]  }
0x3: {  	s0 =	rddreg [dreg:$0x2];
	s3 =	srdreg.scid  }
0x4: {  	s2 =	simm.s32 $0x0;
	s1 =	stileid.u32;
	s10 =	simm.s32 $0x4000  }
0x5: {  	s11 =	simm.s32 $0x4200;
	s12 =	simm.s32 $0x4080;
	s13 =	simm.s32 $0x5200  }
0x6: {  	s14 =	simm.s32 $0x4100;
	s15 =	simm.s32 $0x6200;
	s16 =	simm.s32 $0x4180  }
0x7: {  	s17 =	simm.s32 $0x7200;
	s18 =	simm.s32 $0x1;
	s19 =	simm.s32 $0x20  }
0x8: {  	s20 =	simm.s32 $0x3;
	s21 =	simm.s32 $0x0;
	s3 =	sand.u32 $0x1, s3  }
0x9: {  	[smem:$0x7FF] =	sst s2;
	s7 =	sshll.u32 s1, $0x9;
	s4 =	sshll.u32 s3, $0xD  }
0xa: {  	_ =	strace $0x80000047;
	s8 =	ssub.s32 $0x2, s3;
	s3 =	sor.u32 s7, s4  }
0xb: {  	s4 =	sadd.s32 $0x27ADC00, s5;
	s31 =	sshrl.u32 s8, $0x1;
	s5 =	sadd.s32 $0x1800, s5  }
0xc: {  	v0 =	vlaneseq.u32;
	s9 =	sshll.u32 s3, $0x2;
	s7 =	ssub.s32 s8, s31;
	s8 =	simm.s32 $0x2  }
0xd: {  	v0 =	vmul.u32 $0x20, v0;
	s6 =	sadd.s32 s6, s9;
	s7 =	smax.u32 s7, $0x1;
	s9 =	simm.s32 $0x80  }
.LBB2_1:
0xe: {  	[tilespmem:s2], [sflag:$0x2] =	stream.linear.gather [hbm4b:s6+s2], $0x4000, $0x38;
	[tilespmem:$0x8200] =	vst v63  }
0xf: {  	_ =	swait.ge [sflag:s8], $0x4000  }
0x10: {  	[sflag:s8] =	ssyncset.done $0x0  }
0x11: {  	s22 =	simm.s32 $0x0;
	[sflag:s8] =	ssyncadd.s32 $0xFFFFC000  }
.LBB2_2:
0x12: {  	v1 =	vmov s22;
	s23 =	simm.s32 $0x0  }
0x13: {  	v1 =	vand.u32 $0x1F, v1;
	v2 =	vmov s23  }
0x14: {  	v1 =	vbroadcast v1, $0x0;
	v2 =	vshll.u32 v2, $0x5  }
0x15: {  	v2 =	vor.u32 v0, v2  }
0x16: {  	v2 =	vor.u32 v1, v2;
	_ =	sdelay $0x2  }
0x17: {  	s30 =	simm.s32 $0x10  }
0x18: {  	v3 =	vmov s30  }
0x19: {  	v4 =	vld.idx.msk [tilespmem:v2+s2+$0x0], $0xffff;
	v2 =	vshll.u32 v3, $0x5  }
0x1a: {  	v2 =	vor.u32 v0, v2  }
0x1b: {  	s31 =	smul.u32 $0x186A0, s22;
	v3 =	vor.u32 v1, v2;
	_ =	sdelay $0x1  }
0x1c: {  	v2 =	vmov s31  }
0x1d: {  	s23 =	simm.s32 $0x4000;
	v4 =	vadd.s32 v2, v4  }
0x1e: {  	s24 =	simm.s32 $0x20;
	[tilespmem:s23+$0x0] =	vst v4  }
0x1f: {  	v4 =	vmov s24;
	s24 =	simm.s32 $0x30;
	v3 =	vld.idx.msk [tilespmem:v3+s2+$0x0], $0xffff  }
.LBB2_3:
0x20: {  	p0 =	sne.s32 s24, $0x1F0;
	v4 =	vshll.u32 v4, $0x5  }
0x21: {  	v4 =	vor.u32 v0, v4  }
0x22: {  	v5 =	vor.u32 v1, v4  }
.Ltmp0:
0x23: {  	(pc) =	sbr.rel @p0 .LBB2_3-.Ltmp0, $4  }
0x24: {  	_ = 	snop  }
0x25: {  	s23 =	sadd.s32 $0x10, s23;
	v3 =	vadd.s32 v2, v3  }
0x26: {  	[tilespmem:s23+$0x0] =	vst v3  }
0x27: {  	v4 =	vmov s24;
	s24 =	sadd.s32 $0x10, s24;
	v3 =	vld.idx.msk [tilespmem:v5+s2+$0x0], $0xffff  }
0x28: {  	v4 =	vshll.u32 v4, $0x5  }
0x29: {  	v4 =	vor.u32 v0, v4  }
0x2a: {  	v1 =	vor.u32 v1, v4;
	_ =	sdelay $0x2  }
0x2b: {  	s23 =	sadd.s32 $0x10, s23;
	v3 =	vadd.s32 v2, v3  }
0x2c: {  	[tilespmem:s23+$0x0] =	vst v3  }
0x2d: {  	v1 =	vld.idx.msk [tilespmem:v1+s2+$0x0], $0xffff;
	_ =	sdelay $0x4  }
0x2e: {  	s23 =	sadd.s32 $0x10, s23;
	v1 =	vadd.s32 v2, v1  }
0x2f: {  	[tilespmem:s23+$0x0] =	vst v1  }
0x30: {  	[tilespmem:s11], [sflag:$0x1] =	stream.indirect.gather [hbm4b:s4+s9], $0x20, s10, s9, $0xb8;
	[tilespmem:$0x8200] =	vst v63  }
0x31: {  	_ = 	snop  }
0x32: {  	[tilespmem:s13], [sflag:$0x1] =	stream.indirect.gather [hbm4b:s4+s9], $0x20, s12, s9, $0xb8;
	[tilespmem:$0x8200] =	vst v63  }
0x33: {  	_ = 	snop  }
0x34: {  	[tilespmem:s15], [sflag:$0x1] =	stream.indirect.gather [hbm4b:s4+s9], $0x20, s14, s9, $0xb8;
	[tilespmem:$0x8200] =	vst v63  }
0x35: {  	_ = 	snop  }
0x36: {  	[tilespmem:s17], [sflag:$0x1] =	stream.indirect.gather [hbm4b:s4+s9], $0x20, s16, s9, $0xb8;
	[tilespmem:$0x8200] =	vst v63  }
0x37: {  	_ =	swait.ge [sflag:s18], $0x1000  }
0x38: {  	[sflag:s18] =	ssyncset.done $0x0  }
0x39: {  	[sflag:s18] =	ssyncadd.s32 $0xFFFFF000  }
0x3a: {  	_ =	swait.ge [sflag:s18], $0x1000  }
0x3b: {  	[sflag:s18] =	ssyncset.done $0x0  }
0x3c: {  	s31 =	sshll.u32 s22, $0xC;
	[sflag:s18] =	ssyncadd.s32 $0xFFFFF000  }
0x3d: {  	s24 =	sshll.u32 s22, $0x5;
	s23 =	sand.u32 $0x1C000, s31;
	_ =	swait.ge [sflag:s18], $0x1000  }
0x3e: {  	p0 =	slt.u32 s22, $0x18;
	s23 =	sor.u32 s3, s23;
	[sflag:s18] =	ssyncset.done $0x0  }
0x3f: {  	s24 =	sand.u32 $0x60, s24;
	s23 =	sshll.u32 s23, $0x7;
	[sflag:s18] =	ssyncadd.s32 $0xFFFFF000  }
0x40: {  	s22 =	sadd.s32 $0x1, s22;
	s25 =	sor.u32 s24, s23;
	_ =	swait.ge [sflag:s18], $0x1000  }
0x41: {  	s26 =	simm.s32 @!p0 $0x4200;
	s25 =	sshrl.u32 s25, $0x3;
	[sflag:s18] =	ssyncset.done $0x0  }
0x42: {  	s23 =	sadd.s32 @!p0 s23, s24;
	s25 =	sadd.s32 s5, s25;
	[sflag:s18] =	ssyncadd.s32 $0xFFFFF000  }
0x43: {  	[hbm4b:s25+s19] =	stream.strided.scatter [tilespmem:s11], [sflag:$0x3], $0x4000, s9, s19, $0x38;
	[tilespmem:$0x8200] =	vst v63  }
0x44: {  	p1 =	sne.s32 s22, $0x1A;
	s23 =	sadd.s32 @!p0 $0x40, s23;
	_ =	swait.ge [sflag:s20], $0x4000  }
0x45: {  	s24 =	simm.s32 @!p0 $0x20;
	s23 =	sshrl.u32 @!p0 s23, $0x3;
	[sflag:s20] =	ssyncset.done $0x0  }
0x46: {  	s23 =	sadd.s32 @!p0 s5, s23;
	s25 =	simm.s32 @!p0 $0x80;
	[sflag:s20] =	ssyncadd.s32 $0xFFFFC000  }
0x47: {  	[hbm4b:s23+s24] =	stream.strided.scatter @!p0 [tilespmem:s26], [sflag:$0x2], $0x4000, s25, s24, $0x38;
	[tilespmem:$0x8200] =	vst v63  }
.Ltmp1:
0x48: {  	_ = 	snop;
	(pc) =	sbr.rel @p1 .LBB2_2-.Ltmp1, $4  }
0x49: {  	s23 =	simm.s32 @!p0 $0x2  }
0x4a: {  	_ =	swait.ge @!p0 [sflag:s23], $0x4000  }
0x4b: {  	[sflag:s23] =	ssyncset.done @!p0 $0x0  }
0x4c: {  	[sflag:s23] =	ssyncadd.s32 @!p0 $0xFFFFC000  }
0x4d: {  	s21 =	sadd.s32 $0x1, s21  }
0x4e: {  	p0 =	sne.s32 s21, s7  }
.Ltmp2:
0x4f: {  	_ = 	snop;
	(pc) =	sbr.rel @p0 .LBB2_1-.Ltmp2, $1  }
0x50: {  	_ =	sdelay $0x3  }
0x51: {  	_ =	sfence.sel $0x180000  }
0x52: {  	[bflag:$0x0] =	sbarrier.arrive $0xFFFF  }
0x53: {  	p0 =	sne.s32 s1, $0x0;
	_ =	strace $0x90000047  }
0x54: {  	s0 =	sadd.s32 @!p0 $0x100000, s0;
	[bflag:$0x2] =	sbarrier.arrive $0xFFFF  }
0x55: {  	[sflag:s0] =	ssyncadd.tile.s32 @!p0 $0x1;
	_ =	shalt  }
.Lfunc_end2:
_tile_overlayer_lowered:
.L_overlay_start_2:
0x56: {  	(tag) =	ssettag $0x2  }
0x57: {  	s0 =	rddreg [dreg:$0x0];
	s2 =	stileid.u32  }
0x58: {  	s1 =	rddreg [dreg:$0x1];
	p0 =	sne.s32 s2, $0x0  }
0x59: {  	s3 =	rddreg [dreg:$0x2];
	[bflag:$0x3] =	sbarrier.arrive $0xFFFF;
	s2 =	simm.s32 @!p0 $0x1C02  }
0x5a: {  	[timem:s3], [sflag:s2] =	dma.local @!p0 [hbm:s0], s1  }
0x5b: {  	s0 =	simm.s32 @!p0 $0x2  }
0x5c: {  	_ =	swait.ge @!p0 [sflag:s0], s1  }
0x5d: {  	s1 =	ssub.s32 @!p0 $0x0, s1;
	[sflag:s0] =	ssyncset.done @!p0 $0x0  }
0x5e: {  	[sflag:s0] =	ssyncadd.s32 @!p0 s1  }
0x5f: {  	[bflag:$0x3] =	sbarrier.arrive $0xFFFF  }
0x60: {  	_ =	shalt  }

</sc_bundles>
